<compile_context>
chip_gen: v7x
topology: tpu7x:2x2x1
jax: 0.10.2.dev20260603
libtpu: 0.0.44.dev20260713+nightly
codegen_flags: <defaults>
</compile_context>

<pallas_src>
import jax
import jax.numpy as jnp
from jax import lax
from jax.experimental import pallas as pl
from jax.experimental.pallas import tpu as pltpu
from jax.experimental.pallas import tpu_sc as plsc

SPARSITY = 8
EPS = 1e-08
BN_EPS = 1e-05
NEG_BIG = -1e30
TN = 1024

_NC, _NS = 2, 16
_NW = _NC * _NS


def _k1_body(xf_ref, w_ref, d_ref, b_ref, logits_ref, idx_ref, s_ref):
    i = pl.program_id(0)
    xf = xf_ref[...]
    w = w_ref[...]
    d = d_ref[...]
    logits = jax.lax.dot_general(xf, w, (((1,), (1,)), ((), ())),
                                 preferred_element_type=jnp.float32) + b_ref[...]
    logits_ref[...] = logits

    tsum = jnp.sum(jnp.exp(logits), axis=0, keepdims=True)

    @pl.when(i == 0)
    def _():
        s_ref[...] = tsum

    @pl.when(i > 0)
    def _():
        s_ref[...] += tsum

    d2 = jnp.sum(d ** 2, axis=1)[None, :]
    x2 = jnp.sum(xf ** 2, axis=1, keepdims=True)
    xd = jax.lax.dot_general(xf, d, (((1,), (1,)), ((), ())),
                             preferred_element_type=jnp.float32)
    scores = -(x2 + d2 - 2.0 * xd)
    iota = jax.lax.broadcasted_iota(jnp.int32, scores.shape, 1).astype(jnp.float32)
    cols = []
    for _ in range(SPARSITY):
        m = jnp.max(scores, axis=1, keepdims=True)
        cand = jnp.where(scores == m, iota, jnp.float32(2.0 ** 30))
        ij = jnp.min(cand, axis=1, keepdims=True)
        cols.append(ij.astype(jnp.int32))
        scores = jnp.where(cand == ij, NEG_BIG, scores)
    idx_ref[...] = jnp.concatenate(cols, axis=1)


def _sc_hist_body(idx_hbm, cnt_hbm, idx_v, hist_v):
    k = hist_v.shape[0]
    e = idx_v.shape[0]
    wid = lax.axis_index("s") * _NC + lax.axis_index("c")
    pltpu.sync_copy(idx_hbm.at[pl.ds(wid * e, e)], idx_v)

    lane = lax.iota(jnp.int32, 16)
    zeros16 = jnp.zeros((16,), jnp.float32)

    def zero_body(t, c):
        hist_v[pl.ds(t * 16, 16)] = zeros16
        return c

    lax.fori_loop(0, k // 16, zero_body, 0)

    ones16 = jnp.ones((16,), jnp.float32)
    mlo = lane < 8
    mhi = lane >= 8

    def add_body(r, c):
        iv = idx_v[pl.ds(r * 16, 16)]
        plsc.addupdate_scatter(hist_v, [iv], ones16, mask=mlo)
        plsc.addupdate_scatter(hist_v, [iv], ones16, mask=mhi)
        return c

    lax.fori_loop(0, e // 16, add_body, 0)
    pltpu.sync_copy(hist_v, cnt_hbm.at[wid])


def _k3_body(l_ref, idx_ref, xf_ref, d_ref, s_ref, g_ref, be_ref,
             mu_ref, var_ref, rep_ref, rout_ref, sq_ref):
    i = pl.program_id(0)
    l = l_ref[...]
    sm = jnp.exp(l) * (1.0 / s_ref[...])
    a = g_ref[...] / jnp.sqrt(var_ref[...] + BN_EPS)
    repd = (sm - mu_ref[...]) * a + be_ref[...]

    iota = jax.lax.broadcasted_iota(jnp.int32, l.shape, 1)
    idx = idx_ref[...]
    rep = jnp.zeros_like(l)
    for j in range(SPARSITY):
        rep = jnp.where(iota == idx[:, j:j + 1], repd, rep)
    rep_ref[...] = rep

    @pl.when(i == 0)
    def _():
        sq_ref[...] = jnp.zeros_like(sq_ref)

    recon = jax.lax.dot_general(rep, d_ref[...], (((1,), (0,)), ((), ())),
                                preferred_element_type=jnp.float32)
    c = xf_ref.shape[1]
    rn = recon.reshape(c, -1)
    trn = jnp.transpose(rn)
    xf = xf_ref[...]
    rout_ref[...] = 2.0 * trn - xf
    diff = xf - trn
    sq_ref[...] += jnp.sum(diff * diff, axis=(0, 1), keepdims=True)


def _k4_body(cnt_ref, sq_ref, cc_ref, n_ref, loss_ref, perp_ref):
    counts = jnp.sum(cnt_ref[...], axis=0, keepdims=True)
    avg = counts / n_ref[0, 0]
    p = avg / jnp.sum(avg, axis=(0, 1), keepdims=True)
    ent = -jnp.sum(p * jnp.log(p + EPS), axis=(0, 1), keepdims=True)
    perp_ref[...] = jnp.exp(ent)
    loss_ref[...] = sq_ref[...] / n_ref[...] * (1.0 + cc_ref[...])


def kernel(x, dictionary, lin_w, lin_b, bn_gamma, bn_beta, bn_mean, bn_var,
           commitment_cost):
    B, C, H, W = x.shape
    N = B * H * W
    K = dictionary.shape[0]
    n_tiles = N // TN

    xf = jnp.transpose(x, (0, 2, 3, 1)).reshape(N, C)

    row = lambda a: a.reshape(1, -1).astype(jnp.float32)

    logits, idx, s_col = pl.pallas_call(
        _k1_body,
        grid=(n_tiles,),
        in_specs=[
            pl.BlockSpec((TN, C), lambda i: (i, 0)),
            pl.BlockSpec((K, C), lambda i: (0, 0)),
            pl.BlockSpec((K, C), lambda i: (0, 0)),
            pl.BlockSpec((1, K), lambda i: (0, 0)),
        ],
        out_specs=[
            pl.BlockSpec((TN, K), lambda i: (i, 0)),
            pl.BlockSpec((TN, SPARSITY), lambda i: (i, 0)),
            pl.BlockSpec((1, K), lambda i: (0, 0)),
        ],
        out_shape=[
            jax.ShapeDtypeStruct((N, K), jnp.float32),
            jax.ShapeDtypeStruct((N, SPARSITY), jnp.int32),
            jax.ShapeDtypeStruct((1, K), jnp.float32),
        ],
    )(xf, lin_w, dictionary, row(lin_b))

    e_per_w = (N * SPARSITY) // _NW
    hist = pl.kernel(
        _sc_hist_body,
        out_type=jax.ShapeDtypeStruct((_NW, K), jnp.float32),
        scratch_types=[
            pltpu.VMEM((e_per_w,), jnp.int32),
            pltpu.VMEM((K,), jnp.float32),
        ],
        mesh=plsc.VectorSubcoreMesh(core_axis_name="c", subcore_axis_name="s"),
        compiler_params=pltpu.CompilerParams(needs_layout_passes=False),
    )(idx.reshape(-1))

    tn3 = H * W
    rep, rout, sqsum = pl.pallas_call(
        _k3_body,
        grid=(B,),
        in_specs=[
            pl.BlockSpec((tn3, K), lambda i: (i, 0)),
            pl.BlockSpec((tn3, SPARSITY), lambda i: (i, 0)),
            pl.BlockSpec((tn3, C), lambda i: (i, 0)),
            pl.BlockSpec((K, C), lambda i: (0, 0)),
            pl.BlockSpec((1, K), lambda i: (0, 0)),
            pl.BlockSpec((1, K), lambda i: (0, 0)),
            pl.BlockSpec((1, K), lambda i: (0, 0)),
            pl.BlockSpec((1, K), lambda i: (0, 0)),
            pl.BlockSpec((1, K), lambda i: (0, 0)),
        ],
        out_specs=[
            pl.BlockSpec((tn3, K), lambda i: (i, 0)),
            pl.BlockSpec((tn3, C), lambda i: (i, 0)),
            pl.BlockSpec((1, 1), lambda i: (0, 0)),
        ],
        out_shape=[
            jax.ShapeDtypeStruct((N, K), jnp.float32),
            jax.ShapeDtypeStruct((N, C), jnp.float32),
            jax.ShapeDtypeStruct((1, 1), jnp.float32),
        ],
    )(logits, idx, xf, dictionary, s_col, row(bn_gamma), row(bn_beta),
      row(bn_mean), row(bn_var))

    loss, perp = pl.pallas_call(
        _k4_body,
        in_specs=[
            pl.BlockSpec((_NW, K), lambda: (0, 0)),
            pl.BlockSpec((1, 1), lambda: (0, 0)),
            pl.BlockSpec((1, 1), lambda: (0, 0)),
            pl.BlockSpec((1, 1), lambda: (0, 0)),
        ],
        out_specs=[
            pl.BlockSpec((1, 1), lambda: (0, 0)),
            pl.BlockSpec((1, 1), lambda: (0, 0)),
        ],
        out_shape=[
            jax.ShapeDtypeStruct((1, 1), jnp.float32),
            jax.ShapeDtypeStruct((1, 1), jnp.float32),
        ],
    )(hist, sqsum, commitment_cost.reshape(1, 1).astype(jnp.float32),
      jnp.full((1, 1), float(N), jnp.float32))

    recon_loss = loss[0, 0] / jnp.float32(C)
    perplexity = perp[0, 0]
    recon_out = jnp.transpose(rout.reshape(B, H, W, C), (0, 3, 1, 2))
    return recon_loss, recon_out, perplexity, rep

# --- scband reference (transcript-rebuilt; emitter-appended) ---
"""Pipeline reference for scband-dict-learn-ema-67963562491996 (READ-ONLY COPY).

The authoritative reference and input builder live on the scoring server;
editing this copy changes nothing except your own understanding.
"""

import jax, jax.numpy as jnp
import numpy as np

SPARSITY = 8
EPS = 1e-08
BN_EPS = 1e-05

def setup_inputs(seed: int = 0) -> dict:
    key = jax.random.key(seed)
    ks = jax.random.split(key, 4)
    x = jax.random.normal(ks[0], (16, 256, 32, 32), dtype=jnp.float32)
    dictionary = jax.random.uniform(ks[1], (1024, 256), minval=-1.0/1024, maxval=1.0/1024, dtype=jnp.float32)
    lin_w = jax.random.normal(ks[2], (1024, 256), dtype=jnp.float32) * (1.0/np.sqrt(256.0))
    lin_b = jnp.zeros((1024,), dtype=jnp.float32)
    bn_gamma = jnp.ones((1024,), dtype=jnp.float32)
    bn_beta = jnp.zeros((1024,), dtype=jnp.float32)
    bn_mean = jnp.zeros((1024,), dtype=jnp.float32)
    bn_var = jnp.ones((1024,), dtype=jnp.float32)
    commitment_cost = jnp.asarray(0.25, dtype=jnp.float32)
    return {"x": x, "dictionary": dictionary, "lin_w": lin_w, "lin_b": lin_b,
            "bn_gamma": bn_gamma, "bn_beta": bn_beta, "bn_mean": bn_mean,
            "bn_var": bn_var, "commitment_cost": commitment_cost}

def reference(x, dictionary, lin_w, lin_b, bn_gamma, bn_beta, bn_mean, bn_var, commitment_cost):
    B, C, H, W = x.shape
    dim = C
    K = dictionary.shape[0]
    # permute to NHWC then flatten to [N, dim]
    xp = jnp.transpose(x, (0, 2, 3, 1))
    xf = xp.reshape(-1, dim)
    N = xf.shape[0]
    # representation builder: Linear -> Softmax(dim=0) -> BatchNorm1d (eval stats)
    rep = xf @ lin_w.T + lin_b
    rep = jax.nn.softmax(rep, axis=0)
    rep = (rep - bn_mean) / jnp.sqrt(bn_var + BN_EPS) * bn_gamma + bn_beta
    # negative squared distances to dictionary atoms
    distances = -(jnp.sum(xf ** 2, axis=1, keepdims=True)
                  + jnp.sum(dictionary ** 2, axis=1)
                  - 2.0 * (xf @ dictionary.T))
    _vals, idx = jax.lax.top_k(distances, SPARSITY)
    sparse_op = jnp.zeros((N, K), dtype=rep.dtype).at[jnp.arange(N)[:, None], idx].set(1.0)
    rep = rep * sparse_op
    recon = rep @ dictionary
    # faithful to torch: raw view of [N, dim] (NHWC order) into [B, dim, H, W]
    recon = recon.reshape(B, dim, H, W)
    x_back = jnp.transpose(xp, (0, 3, 1, 2)).reshape(B, dim, H, W)
    recon_loss = (jnp.mean((x_back - jax.lax.stop_gradient(recon)) ** 2) * commitment_cost
                  + jnp.mean((jax.lax.stop_gradient(x_back) - recon) ** 2))
    recon_out = recon + jax.lax.stop_gradient(recon - x_back)
    avg_probs = jnp.mean(sparse_op, axis=0)
    avg_probs = avg_probs / jnp.sum(avg_probs)
    perplexity = jnp.exp(-jnp.sum(avg_probs * jnp.log(avg_probs + EPS)))
    return recon_loss, recon_out, perplexity, rep

if __name__ == "__main__":
    import jax
    _d = setup_inputs()
    print(jax.jit(kernel)(*tuple(_d.values())))

</pallas_src>

<mosaic_0001>
#map = affine_map<(d0, d1) -> (0)>
#map1 = affine_map<(d0, d1) -> (0, 0)>
module attributes {stable_mosaic.version = 14 : i64} {
  func.func @_sc_hist_body(%arg0: i32, %arg1: i32, %arg2: memref<131072xi32, #tpu.memory_space<hbm>>, %arg3: memref<32x1024xf32, #tpu.memory_space<hbm>>, %arg4: memref<4096xi32, #tpu.memory_space<vmem>>, %arg5: memref<1024xf32, #tpu.memory_space<vmem>>) attributes {dimension_semantics = [#tpu.dimension_semantics<core_parallel>, #tpu.dimension_semantics<subcore_parallel>], iteration_bounds = array<i64: 2, 16>, scalar_prefetch = 0 : i64, scratch_operands = 2 : i64, tpu.core_type = #tpu.core_type<sc_vector_subcore>, window_params = [{transform_indices = #map}, {transform_indices = #map1}]} {
    %mul3A = arith.constant 2 : i32
    %mul3A_0 = arith.muli %arg1, %mul3A : i32
    %add3A = arith.addi %mul3A_0, %arg0 : i32
    %mul3A_1 = arith.constant 4096 : i32
    %mul3A_2 = arith.muli %add3A, %mul3A_1 : i32
    "tpu.region"() ({
      %run_scoped3A = tpu.sem_alloc : memref<!tpu.dma_semaphore, #tpu.memory_space<semaphore_mem>>
      %dma_start3A = tpu.memref_slice %arg2[%mul3A_2] : memref<131072xi32, #tpu.memory_space<hbm>> -> memref<4096xi32, #tpu.memory_space<hbm>>
      %dma_start3A_21 = tpu.memref_slice %arg2[%mul3A_2] : memref<131072xi32, #tpu.memory_space<hbm>> -> memref<4096xi32, #tpu.memory_space<hbm>>
      tpu.enqueue_dma source(%dma_start3A_21 : memref<4096xi32, #tpu.memory_space<hbm>>) target(%arg4 : memref<4096xi32, #tpu.memory_space<vmem>>) target_semaphore(%run_scoped3A : memref<!tpu.dma_semaphore, #tpu.memory_space<semaphore_mem>>)
      %dma_wait3A = tpu.memref_slice %arg2[%mul3A_2] : memref<131072xi32, #tpu.memory_space<hbm>> -> memref<4096xi32, #tpu.memory_space<hbm>>
      %dma_wait3A_22 = tpu.memref_slice %arg2[%mul3A_2] : memref<131072xi32, #tpu.memory_space<hbm>> -> memref<4096xi32, #tpu.memory_space<hbm>>
      tpu.wait_dma2 semaphore(%run_scoped3A : memref<!tpu.dma_semaphore, #tpu.memory_space<semaphore_mem>>) src(%dma_wait3A_22 : memref<4096xi32, #tpu.memory_space<hbm>>) dst(%arg4 : memref<4096xi32, #tpu.memory_space<vmem>>)
      tpu.yield
    }) : () -> ()
    %iota3A = tpu.iota {dimensions = array<i32: 0>} : vector<16xi32>
    %broadcast_in_dim3A = arith.constant 0.000000e+00 : f32
    %broadcast_in_dim3A_3 = vector.broadcast %broadcast_in_dim3A : f32 to vector<16xf32>
    %scan3A = arith.constant 0 : i32
    %scan3A_4 = arith.constant 0 : i32
    %scan3A_5 = arith.constant 64 : i32
    %scan3A_6 = arith.addi %scan3A_4, %scan3A_5 : i32
    %scan3A_7 = arith.constant 1 : i32
    scf.for %scan3A_21 = %scan3A_4 to %scan3A_6 step %scan3A_7  : i32 {
      %mul3A_22 = arith.constant 16 : i32
      %mul3A_23 = arith.muli %scan3A_21, %mul3A_22 : i32
      %swap3A = arith.index_cast %mul3A_23 : i32 to index
      %swap3A_24 = tpu.vector_load %arg5[%swap3A] {strides = array<i32>} : memref<1024xf32, #tpu.memory_space<vmem>>, vector<16xf32>,
      tpu.vector_store %arg5[%swap3A], %broadcast_in_dim3A_3 {strides = array<i32>} : memref<1024xf32, #tpu.memory_space<vmem>>, vector<16xf32>,
    }
    %scan3A_8 = arith.constant 64 : i32
    %broadcast_in_dim3A_9 = arith.constant 1.000000e+00 : f32
    %broadcast_in_dim3A_10 = vector.broadcast %broadcast_in_dim3A_9 : f32 to vector<16xf32>
    %lt3A = arith.constant 8 : i32
    %lt3A_11 = vector.broadcast %lt3A : i32 to vector<16xi32>
    %lt3A_12 = arith.cmpi slt, %iota3A, %lt3A_11 : vector<16xi32>
    %ge3A = arith.constant 8 : i32
    %ge3A_13 = vector.broadcast %ge3A : i32 to vector<16xi32>
    %ge3A_14 = arith.cmpi sge, %iota3A, %ge3A_13 : vector<16xi32>
    %scan3A_15 = arith.constant 0 : i32
    %scan3A_16 = arith.constant 0 : i32
    %scan3A_17 = arith.constant 256 : i32
    %scan3A_18 = arith.addi %scan3A_16, %scan3A_17 : i32
    %scan3A_19 = arith.constant 1 : i32
    scf.for %scan3A_21 = %scan3A_16 to %scan3A_18 step %scan3A_19  : i32 {
      %mul3A_22 = arith.constant 16 : i32
      %mul3A_23 = arith.muli %scan3A_21, %mul3A_22 : i32
      %get3A = arith.index_cast %mul3A_23 : i32 to index
      %get3A_24 = tpu.vector_load %arg4[%get3A] {strides = array<i32>} : memref<4096xi32, #tpu.memory_space<vmem>>, vector<16xi32>,
      tpu.vector_store_idx %arg5[%get3A_24], %broadcast_in_dim3A_10 masked %lt3A_12 {add = true} : memref<1024xf32, #tpu.memory_space<vmem>>[vector<16xi32>], vector<16xf32>, vector<16xi1>
      tpu.vector_store_idx %arg5[%get3A_24], %broadcast_in_dim3A_10 masked %ge3A_14 {add = true} : memref<1024xf32, #tpu.memory_space<vmem>>[vector<16xi32>], vector<16xf32>, vector<16xi1>
    }
    %scan3A_20 = arith.constant 256 : i32
    "tpu.region"() ({
      %run_scoped3A = tpu.sem_alloc : memref<!tpu.dma_semaphore, #tpu.memory_space<semaphore_mem>>
      %dma_start3A = arith.constant 0 : i32
      %dma_start3A_21 = tpu.memref_slice %arg3[%add3A, %dma_start3A] : memref<32x1024xf32, #tpu.memory_space<hbm>> -> memref<1x1024xf32, #tpu.memory_space<hbm>>
      %dma_start3A_22 = tpu.memref_squeeze %dma_start3A_21 : memref<1x1024xf32, #tpu.memory_space<hbm>> -> memref<1024xf32, #tpu.memory_space<hbm>>
      %dma_start3A_23 = arith.constant 0 : i32
      %dma_start3A_24 = tpu.memref_slice %arg3[%add3A, %dma_start3A_23] : memref<32x1024xf32, #tpu.memory_space<hbm>> -> memref<1x1024xf32, #tpu.memory_space<hbm>>
      %dma_start3A_25 = tpu.memref_squeeze %dma_start3A_24 : memref<1x1024xf32, #tpu.memory_space<hbm>> -> memref<1024xf32, #tpu.memory_space<hbm>>
      tpu.enqueue_dma source(%arg5 : memref<1024xf32, #tpu.memory_space<vmem>>) target(%dma_start3A_25 : memref<1024xf32, #tpu.memory_space<hbm>>) target_semaphore(%run_scoped3A : memref<!tpu.dma_semaphore, #tpu.memory_space<semaphore_mem>>)
      %dma_wait3A = arith.constant 0 : i32
      %dma_wait3A_26 = tpu.memref_slice %arg3[%add3A, %dma_wait3A] : memref<32x1024xf32, #tpu.memory_space<hbm>> -> memref<1x1024xf32, #tpu.memory_space<hbm>>
      %dma_wait3A_27 = tpu.memref_squeeze %dma_wait3A_26 : memref<1x1024xf32, #tpu.memory_space<hbm>> -> memref<1024xf32, #tpu.memory_space<hbm>>
      %dma_wait3A_28 = arith.constant 0 : i32
      %dma_wait3A_29 = tpu.memref_slice %arg3[%add3A, %dma_wait3A_28] : memref<32x1024xf32, #tpu.memory_space<hbm>> -> memref<1x1024xf32, #tpu.memory_space<hbm>>
      %dma_wait3A_30 = tpu.memref_squeeze %dma_wait3A_29 : memref<1x1024xf32, #tpu.memory_space<hbm>> -> memref<1024xf32, #tpu.memory_space<hbm>>
      tpu.wait_dma2 semaphore(%run_scoped3A : memref<!tpu.dma_semaphore, #tpu.memory_space<semaphore_mem>>) src(%arg5 : memref<1024xf32, #tpu.memory_space<vmem>>) dst(%dma_wait3A_30 : memref<1024xf32, #tpu.memory_space<hbm>>)
      tpu.yield
    }) : () -> ()
    return
  }
}

module attributes {stable_mosaic.version = 14 : i64} {
  func.func @_k3_body(%arg0: i32, %arg1: memref<1024x1024xf32, #tpu.memory_space<vmem>>, %arg2: memref<1024x8xi32, #tpu.memory_space<vmem>>, %arg3: memref<1024x256xf32, #tpu.memory_space<vmem>>, %arg4: memref<1024x256xf32, #tpu.memory_space<vmem>>, %arg5: memref<1x1024xf32, #tpu.memory_space<vmem>>, %arg6: memref<1x1024xf32, #tpu.memory_space<vmem>>, %arg7: memref<1x1024xf32, #tpu.memory_space<vmem>>, %arg8: memref<1x1024xf32, #tpu.memory_space<vmem>>, %arg9: memref<1x1024xf32, #tpu.memory_space<vmem>>, %arg10: memref<1024x1024xf32, #tpu.memory_space<vmem>>, %arg11: memref<1024x256xf32, #tpu.memory_space<vmem>>, %arg12: memref<1x1xf32, #tpu.memory_space<vmem>>) attributes {dimension_semantics = [#tpu.dimension_semantics<arbitrary>], iteration_bounds = array<i64: 16>, scalar_prefetch = 0 : i64, scratch_operands = 0 : i64, tpu.core_type = #tpu.core_type<tc>, window_params = [{transform_indices = @transform_0, window_bounds = array<i64: 1024, 1024>}, {transform_indices = @transform_1, window_bounds = array<i64: 1024, 8>}, {transform_indices = @transform_2, window_bounds = array<i64: 1024, 256>}, {pipeline_mode = #tpu.pipeline_mode<synchronous>, transform_indices = @transform_3, window_bounds = array<i64: 1024, 256>}, {pipeline_mode = #tpu.pipeline_mode<synchronous>, transform_indices = @transform_4, window_bounds = array<i64: 1, 1024>}, {pipeline_mode = #tpu.pipeline_mode<synchronous>, transform_indices = @transform_5, window_bounds = array<i64: 1, 1024>}, {pipeline_mode = #tpu.pipeline_mode<synchronous>, transform_indices = @transform_6, window_bounds = array<i64: 1, 1024>}, {pipeline_mode = #tpu.pipeline_mode<synchronous>, transform_indices = @transform_7, window_bounds = array<i64: 1, 1024>}, {pipeline_mode = #tpu.pipeline_mode<synchronous>, transform_indices = @transform_8, window_bounds = array<i64: 1, 1024>}, {transform_indices = @transform_9, window_bounds = array<i64: 1024, 1024>}, {transform_indices = @transform_10, window_bounds = array<i64: 1024, 256>}, {pipeline_mode = #tpu.pipeline_mode<synchronous>, transform_indices = @transform_11, window_bounds = array<i64: 1, 1>}]} {
    %get3A = arith.constant 0 : index
    %get3A_0 = arith.constant 0 : index
    %get3A_1 = vector.load %arg1[%get3A, %get3A_0] : memref<1024x1024xf32, #tpu.memory_space<vmem>>, vector<1024x1024xf32>
    %exp3A = math.exp %get3A_1 : vector<1024x1024xf32>
    %get3A_2 = arith.constant 0 : index
    %get3A_3 = arith.constant 0 : index
    %get3A_4 = vector.load %arg5[%get3A_2, %get3A_3] : memref<1x1024xf32, #tpu.memory_space<vmem>>, vector<1x1024xf32>
    %div3A = arith.constant 1.000000e+00 : f32
    %div3A_5 = vector.broadcast %div3A : f32 to vector<1x1024xf32>
    %div3A_6 = arith.divf %div3A_5, %get3A_4 : vector<1x1024xf32>
    %mul3A = vector.broadcast %div3A_6 : vector<1x1024xf32> to vector<1024x1024xf32>
    %mul3A_7 = arith.mulf %exp3A, %mul3A : vector<1024x1024xf32>
    %get3A_8 = arith.constant 0 : index
    %get3A_9 = arith.constant 0 : index
    %get3A_10 = vector.load %arg6[%get3A_8, %get3A_9] : memref<1x1024xf32, #tpu.memory_space<vmem>>, vector<1x1024xf32>
    %get3A_11 = arith.constant 0 : index
    %get3A_12 = arith.constant 0 : index
    %get3A_13 = vector.load %arg9[%get3A_11, %get3A_12] : memref<1x1024xf32, #tpu.memory_space<vmem>>, vector<1x1024xf32>
    %add3A = arith.constant 9.99999974E-6 : f32
    %add3A_14 = vector.broadcast %add3A : f32 to vector<1x1024xf32>
    %add3A_15 = arith.addf %get3A_13, %add3A_14 : vector<1x1024xf32>
    %sqrt3A = math.sqrt %add3A_15 : vector<1x1024xf32>
    %div3A_16 = arith.divf %get3A_10, %sqrt3A : vector<1x1024xf32>
    %get3A_17 = arith.constant 0 : index
    %get3A_18 = arith.constant 0 : index
    %get3A_19 = vector.load %arg8[%get3A_17, %get3A_18] : memref<1x1024xf32, #tpu.memory_space<vmem>>, vector<1x1024xf32>
    %sub3A = vector.broadcast %get3A_19 : vector<1x1024xf32> to vector<1024x1024xf32>
    %sub3A_20 = arith.subf %mul3A_7, %sub3A : vector<1024x1024xf32>
    %mul3A_21 = vector.broadcast %div3A_16 : vector<1x1024xf32> to vector<1024x1024xf32>
    %mul3A_22 = arith.mulf %sub3A_20, %mul3A_21 : vector<1024x1024xf32>
    %get3A_23 = arith.constant 0 : index
    %get3A_24 = arith.constant 0 : index
    %get3A_25 = vector.load %arg7[%get3A_23, %get3A_24] : memref<1x1024xf32, #tpu.memory_space<vmem>>, vector<1x1024xf32>
    %add3A_26 = vector.broadcast %get3A_25 : vector<1x1024xf32> to vector<1024x1024xf32>
    %add3A_27 = arith.addf %mul3A_22, %add3A_26 : vector<1024x1024xf32>
    %iota3A = tpu.iota {dimensions = array<i32: 1>} : vector<1024x1024xi32>
    %get3A_28 = arith.constant 0 : index
    %get3A_29 = arith.constant 0 : index
    %get3A_30 = vector.load %arg2[%get3A_28, %get3A_29] : memref<1024x8xi32, #tpu.memory_space<vmem>>, vector<1024x8xi32>
    %broadcast_in_dim3A = arith.constant 0.000000e+00 : f32
    %broadcast_in_dim3A_31 = vector.broadcast %broadcast_in_dim3A : f32 to vector<1024x1024xf32>
    %slice3A = vector.extract_strided_slice %get3A_30 {offsets = [0, 0], sizes = [1024, 1], strides = [1, 1]} : vector<1024x8xi32> to vector<1024x1xi32>
    %eq3A = vector.broadcast %slice3A : vector<1024x1xi32> to vector<1024x1024xi32>
    %eq3A_32 = arith.cmpi eq, %iota3A, %eq3A : vector<1024x1024xi32>
    %select_n3A = arith.select %eq3A_32, %add3A_27, %broadcast_in_dim3A_31 : vector<1024x1024xi1>, vector<1024x1024xf32>
    %slice3A_33 = vector.extract_strided_slice %get3A_30 {offsets = [0, 1], sizes = [1024, 1], strides = [1, 1]} : vector<1024x8xi32> to vector<1024x1xi32>
    %eq3A_34 = vector.broadcast %slice3A_33 : vector<1024x1xi32> to vector<1024x1024xi32>
    %eq3A_35 = arith.cmpi eq, %iota3A, %eq3A_34 : vector<1024x1024xi32>
    %select_n3A_36 = arith.select %eq3A_35, %add3A_27, %select_n3A : vector<1024x1024xi1>, vector<1024x1024xf32>
    %slice3A_37 = vector.extract_strided_slice %get3A_30 {offsets = [0, 2], sizes = [1024, 1], strides = [1, 1]} : vector<1024x8xi32> to vector<1024x1xi32>
    %eq3A_38 = vector.broadcast %slice3A_37 : vector<1024x1xi32> to vector<1024x1024xi32>
    %eq3A_39 = arith.cmpi eq, %iota3A, %eq3A_38 : vector<1024x1024xi32>
    %select_n3A_40 = arith.select %eq3A_39, %add3A_27, %select_n3A_36 : vector<1024x1024xi1>, vector<1024x1024xf32>
    %slice3A_41 = vector.extract_strided_slice %get3A_30 {offsets = [0, 3], sizes = [1024, 1], strides = [1, 1]} : vector<1024x8xi32> to vector<1024x1xi32>
    %eq3A_42 = vector.broadcast %slice3A_41 : vector<1024x1xi32> to vector<1024x1024xi32>
    %eq3A_43 = arith.cmpi eq, %iota3A, %eq3A_42 : vector<1024x1024xi32>
    %select_n3A_44 = arith.select %eq3A_43, %add3A_27, %select_n3A_40 : vector<1024x1024xi1>, vector<1024x1024xf32>
    %slice3A_45 = vector.extract_strided_slice %get3A_30 {offsets = [0, 4], sizes = [1024, 1], strides = [1, 1]} : vector<1024x8xi32> to vector<1024x1xi32>
    %eq3A_46 = vector.broadcast %slice3A_45 : vector<1024x1xi32> to vector<1024x1024xi32>
    %eq3A_47 = arith.cmpi eq, %iota3A, %eq3A_46 : vector<1024x1024xi32>
    %select_n3A_48 = arith.select %eq3A_47, %add3A_27, %select_n3A_44 : vector<1024x1024xi1>, vector<1024x1024xf32>
    %slice3A_49 = vector.extract_strided_slice %get3A_30 {offsets = [0, 5], sizes = [1024, 1], strides = [1, 1]} : vector<1024x8xi32> to vector<1024x1xi32>
    %eq3A_50 = vector.broadcast %slice3A_49 : vector<1024x1xi32> to vector<1024x1024xi32>
    %eq3A_51 = arith.cmpi eq, %iota3A, %eq3A_50 : vector<1024x1024xi32>
    %select_n3A_52 = arith.select %eq3A_51, %add3A_27, %select_n3A_48 : vector<1024x1024xi1>, vector<1024x1024xf32>
    %slice3A_53 = vector.extract_strided_slice %get3A_30 {offsets = [0, 6], sizes = [1024, 1], strides = [1, 1]} : vector<1024x8xi32> to vector<1024x1xi32>
    %eq3A_54 = vector.broadcast %slice3A_53 : vector<1024x1xi32> to vector<1024x1024xi32>
    %eq3A_55 = arith.cmpi eq, %iota3A, %eq3A_54 : vector<1024x1024xi32>
    %select_n3A_56 = arith.select %eq3A_55, %add3A_27, %select_n3A_52 : vector<1024x1024xi1>, vector<1024x1024xf32>
    %slice3A_57 = vector.extract_strided_slice %get3A_30 {offsets = [0, 7], sizes = [1024, 1], strides = [1, 1]} : vector<1024x8xi32> to vector<1024x1xi32>
    %eq3A_58 = vector.broadcast %slice3A_57 : vector<1024x1xi32> to vector<1024x1024xi32>
    %eq3A_59 = arith.cmpi eq, %iota3A, %eq3A_58 : vector<1024x1024xi32>
    %select_n3A_60 = arith.select %eq3A_59, %add3A_27, %select_n3A_56 : vector<1024x1024xi1>, vector<1024x1024xf32>
    %swap3A = arith.constant 0 : index
    %swap3A_61 = arith.constant 0 : index
    %swap3A_62 = vector.load %arg10[%swap3A, %swap3A_61] : memref<1024x1024xf32, #tpu.memory_space<vmem>>, vector<1024x1024xf32>
    tpu.vector_store %arg10[%swap3A, %swap3A_61], %select_n3A_60 {strides = array<i32>} : memref<1024x1024xf32, #tpu.memory_space<vmem>>, vector<1024x1024xf32>,
    %eq3A_63 = arith.constant 0 : i32
    %eq3A_64 = arith.cmpi eq, %arg0, %eq3A_63 : i32
    %convert_element_type3A = arith.extui %eq3A_64 : i1 to i32
    %cond3A = arith.constant 0 : i32
    %cond3A_65 = arith.cmpi ne, %convert_element_type3A, %cond3A : i32
    scf.if %cond3A_65 {
      %broadcast_in_dim3A_94 = arith.constant 0.000000e+00 : f32
      %broadcast_in_dim3A_95 = vector.broadcast %broadcast_in_dim3A_94 : f32 to vector<1x1xf32>
      %swap3A_96 = arith.constant 0 : index
      %swap3A_97 = arith.constant 0 : index
      %swap3A_98 = vector.load %arg12[%swap3A_96, %swap3A_97] : memref<1x1xf32, #tpu.memory_space<vmem>>, vector<1x1xf32>
      tpu.vector_store %arg12[%swap3A_96, %swap3A_97], %broadcast_in_dim3A_95 {strides = array<i32>} : memref<1x1xf32, #tpu.memory_space<vmem>>, vector<1x1xf32>,
    } else {
    }
    %get3A_66 = arith.constant 0 : index
    %get3A_67 = arith.constant 0 : index
    %get3A_68 = vector.load %arg4[%get3A_66, %get3A_67] : memref<1024x256xf32, #tpu.memory_space<vmem>>, vector<1024x256xf32>
    %dot_general3A = arith.constant dense<0.000000e+00> : vector<1024x256xf32>
    %dot_general3A_69 = tpu.matmul %select_n3A_60, %get3A_68, %dot_general3A {dimension_numbers = #tpu.dot_dimension_numbers<[1], [0], [0], [1], [0, 0, 1, 1], [], []>, transpose_lhs_hint = false} : vector<1024x1024xf32>, vector<1024x256xf32>, vector<1024x256xf32> -> vector<1024x256xf32>
    %reshape3A = vector.shape_cast %dot_general3A_69 : vector<1024x256xf32> to vector<256x1024xf32>
    %transpose3A = tpu.transpose %reshape3A, [1, 0] : vector<256x1024xf32> -> vector<1024x256xf32>
    %get3A_70 = arith.constant 0 : index
    %get3A_71 = arith.constant 0 : index
    %get3A_72 = vector.load %arg3[%get3A_70, %get3A_71] : memref<1024x256xf32, #tpu.memory_space<vmem>>, vector<1024x256xf32>
    %mul3A_73 = arith.constant 2.000000e+00 : f32
    %mul3A_74 = vector.broadcast %mul3A_73 : f32 to vector<1024x256xf32>
    %mul3A_75 = arith.mulf %mul3A_74, %transpose3A : vector<1024x256xf32>
    %sub3A_76 = arith.subf %mul3A_75, %get3A_72 : vector<1024x256xf32>
    %swap3A_77 = arith.constant 0 : index
    %swap3A_78 = arith.constant 0 : index
    %swap3A_79 = vector.load %arg11[%swap3A_77, %swap3A_78] : memref<1024x256xf32, #tpu.memory_space<vmem>>, vector<1024x256xf32>
    tpu.vector_store %arg11[%swap3A_77, %swap3A_78], %sub3A_76 {strides = array<i32>} : memref<1024x256xf32, #tpu.memory_space<vmem>>, vector<1024x256xf32>,
    %sub3A_80 = arith.subf %get3A_72, %transpose3A : vector<1024x256xf32>
    %get3A_81 = arith.constant 0 : index
    %get3A_82 = arith.constant 0 : index
    %get3A_83 = vector.load %arg12[%get3A_81, %get3A_82] : memref<1x1xf32, #tpu.memory_space<vmem>>, vector<1x1xf32>
    %mul3A_84 = arith.mulf %sub3A_80, %sub3A_80 : vector<1024x256xf32>
    %reduce_sum3A = vector.shape_cast %mul3A_84 : vector<1024x256xf32> to vector<1x1024x256xf32>
    %reduce_sum3A_85 = arith.constant dense<0.000000e+00> : vector<1xf32>
    %reduce_sum3A_86 = vector.multi_reduction <add>, %reduce_sum3A, %reduce_sum3A_85 [1, 2] : vector<1x1024x256xf32> to vector<1xf32>
    %reduce_sum3A_87 = vector.shape_cast %reduce_sum3A_86 : vector<1xf32> to vector<1x1x1xf32>
    %reduce_sum3A_88 = vector.extract %reduce_sum3A_87[0, 0, 0] : f32 from vector<1x1x1xf32>
    %broadcast_in_dim3A_89 = vector.broadcast %reduce_sum3A_88 : f32 to vector<1x1xf32>
    %add3A_90 = arith.addf %get3A_83, %broadcast_in_dim3A_89 : vector<1x1xf32>
    %swap3A_91 = arith.constant 0 : index
    %swap3A_92 = arith.constant 0 : index
    %swap3A_93 = vector.load %arg12[%swap3A_91, %swap3A_92] : memref<1x1xf32, #tpu.memory_space<vmem>>, vector<1x1xf32>
    tpu.vector_store %arg12[%swap3A_91, %swap3A_92], %add3A_90 {strides = array<i32>} : memref<1x1xf32, #tpu.memory_space<vmem>>, vector<1x1xf32>,
    return
  }
  func.func @transform_0(%arg0: i32) -> (i32, i32) {
    %c0_i32 = arith.constant 0 : i32
    %c0_i32_0 = arith.constant 0 : i32
    return %arg0, %c0_i32 : i32, i32
  }
  func.func @transform_1(%arg0: i32) -> (i32, i32) {
    %c0_i32 = arith.constant 0 : i32
    %c0_i32_0 = arith.constant 0 : i32
    return %arg0, %c0_i32 : i32, i32
  }
  func.func @transform_2(%arg0: i32) -> (i32, i32) {
    %c0_i32 = arith.constant 0 : i32
    %c0_i32_0 = arith.constant 0 : i32
    return %arg0, %c0_i32 : i32, i32
  }
  func.func @transform_3(%arg0: i32) -> (i32, i32) {
    %c0_i32 = arith.constant 0 : i32
    %c0_i32_0 = arith.constant 0 : i32
    %c0_i32_1 = arith.constant 0 : i32
    return %c0_i32, %c0_i32_0 : i32, i32
  }
  func.func @transform_4(%arg0: i32) -> (i32, i32) {
    %c0_i32 = arith.constant 0 : i32
    %c0_i32_0 = arith.constant 0 : i32
    %c0_i32_1 = arith.constant 0 : i32
    return %c0_i32, %c0_i32_0 : i32, i32
  }
  func.func @transform_5(%arg0: i32) -> (i32, i32) {
    %c0_i32 = arith.constant 0 : i32
    %c0_i32_0 = arith.constant 0 : i32
    %c0_i32_1 = arith.constant 0 : i32
    return %c0_i32, %c0_i32_0 : i32, i32
  }
  func.func @transform_6(%arg0: i32) -> (i32, i32) {
    %c0_i32 = arith.constant 0 : i32
    %c0_i32_0 = arith.constant 0 : i32
    %c0_i32_1 = arith.constant 0 : i32
    return %c0_i32, %c0_i32_0 : i32, i32
  }
  func.func @transform_7(%arg0: i32) -> (i32, i32) {
    %c0_i32 = arith.constant 0 : i32
    %c0_i32_0 = arith.constant 0 : i32
    %c0_i32_1 = arith.constant 0 : i32
    return %c0_i32, %c0_i32_0 : i32, i32
  }
  func.func @transform_8(%arg0: i32) -> (i32, i32) {
    %c0_i32 = arith.constant 0 : i32
    %c0_i32_0 = arith.constant 0 : i32
    %c0_i32_1 = arith.constant 0 : i32
    return %c0_i32, %c0_i32_0 : i32, i32
  }
  func.func @transform_9(%arg0: i32) -> (i32, i32) {
    %c0_i32 = arith.constant 0 : i32
    %c0_i32_0 = arith.constant 0 : i32
    return %arg0, %c0_i32 : i32, i32
  }
  func.func @transform_10(%arg0: i32) -> (i32, i32) {
    %c0_i32 = arith.constant 0 : i32
    %c0_i32_0 = arith.constant 0 : i32
    return %arg0, %c0_i32 : i32, i32
  }
  func.func @transform_11(%arg0: i32) -> (i32, i32) {
    %c0_i32 = arith.constant 0 : i32
    %c0_i32_0 = arith.constant 0 : i32
    %c0_i32_1 = arith.constant 0 : i32
    return %c0_i32, %c0_i32_0 : i32, i32
  }
}

module attributes {stable_mosaic.version = 14 : i64} {
  func.func @_k4_body(%arg0: memref<32x1024xf32, #tpu.memory_space<vmem>>, %arg1: memref<1x1xf32, #tpu.memory_space<vmem>>, %arg2: memref<1x1xf32, #tpu.memory_space<vmem>>, %arg3: memref<1x1xf32, #tpu.memory_space<vmem>>, %arg4: memref<1x1xf32, #tpu.memory_space<vmem>>, %arg5: memref<1x1xf32, #tpu.memory_space<vmem>>) attributes {dimension_semantics = [], scalar_prefetch = 0 : i64, scratch_operands = 0 : i64, tpu.core_type = #tpu.core_type<tc>} {
    %get3A = arith.constant 0 : index
    %get3A_0 = arith.constant 0 : index
    %get3A_1 = vector.load %arg0[%get3A, %get3A_0] : memref<32x1024xf32, #tpu.memory_space<vmem>>, vector<32x1024xf32>
    %reduce_sum3A = arith.constant dense<0.000000e+00> : vector<1024xf32>
    %reduce_sum3A_2 = vector.multi_reduction <add>, %get3A_1, %reduce_sum3A [0] : vector<32x1024xf32> to vector<1024xf32>
    %broadcast_in_dim3A = vector.shape_cast %reduce_sum3A_2 : vector<1024xf32> to vector<1x1024xf32>
    %get3A_3 = arith.constant 0 : index
    %get3A_4 = arith.constant 0 : index
    %get3A_5 = vector.load %arg3[%get3A_3, %get3A_4] : memref<1x1xf32, #tpu.memory_space<vmem>>, vector<1x1xf32>
    %get3A_6 = vector.extract %get3A_5[0, 0] : f32 from vector<1x1xf32>
    %div3A = vector.broadcast %get3A_6 : f32 to vector<1x1024xf32>
    %div3A_7 = arith.divf %broadcast_in_dim3A, %div3A : vector<1x1024xf32>
    %reduce_sum3A_8 = vector.shape_cast %div3A_7 : vector<1x1024xf32> to vector<1x1x1024xf32>
    %reduce_sum3A_9 = arith.constant dense<0.000000e+00> : vector<1xf32>
    %reduce_sum3A_10 = vector.multi_reduction <add>, %reduce_sum3A_8, %reduce_sum3A_9 [1, 2] : vector<1x1x1024xf32> to vector<1xf32>
    %reduce_sum3A_11 = vector.shape_cast %reduce_sum3A_10 : vector<1xf32> to vector<1x1x1xf32>
    %reduce_sum3A_12 = vector.extract %reduce_sum3A_11[0, 0, 0] : f32 from vector<1x1x1xf32>
    %broadcast_in_dim3A_13 = vector.broadcast %reduce_sum3A_12 : f32 to vector<1x1xf32>
    %div3A_14 = vector.broadcast %broadcast_in_dim3A_13 : vector<1x1xf32> to vector<1x1024xf32>
    %div3A_15 = arith.divf %div3A_7, %div3A_14 : vector<1x1024xf32>
    %add3A = arith.constant 9.99999993E-9 : f32
    %add3A_16 = vector.broadcast %add3A : f32 to vector<1x1024xf32>
    %add3A_17 = arith.addf %div3A_15, %add3A_16 : vector<1x1024xf32>
    %log3A = math.log %add3A_17 : vector<1x1024xf32>
    %mul3A = arith.mulf %div3A_15, %log3A : vector<1x1024xf32>
    %reduce_sum3A_18 = vector.shape_cast %mul3A : vector<1x1024xf32> to vector<1x1x1024xf32>
    %reduce_sum3A_19 = arith.constant dense<0.000000e+00> : vector<1xf32>
    %reduce_sum3A_20 = vector.multi_reduction <add>, %reduce_sum3A_18, %reduce_sum3A_19 [1, 2] : vector<1x1x1024xf32> to vector<1xf32>
    %reduce_sum3A_21 = vector.shape_cast %reduce_sum3A_20 : vector<1xf32> to vector<1x1x1xf32>
    %reduce_sum3A_22 = vector.extract %reduce_sum3A_21[0, 0, 0] : f32 from vector<1x1x1xf32>
    %broadcast_in_dim3A_23 = vector.broadcast %reduce_sum3A_22 : f32 to vector<1x1xf32>
    %neg3A = arith.constant 0.000000e+00 : f32
    %neg3A_24 = vector.broadcast %neg3A : f32 to vector<1x1xf32>
    %neg3A_25 = arith.subf %neg3A_24, %broadcast_in_dim3A_23 : vector<1x1xf32>
    %exp3A = math.exp %neg3A_25 : vector<1x1xf32>
    %swap3A = arith.constant 0 : index
    %swap3A_26 = arith.constant 0 : index
    %swap3A_27 = vector.load %arg5[%swap3A, %swap3A_26] : memref<1x1xf32, #tpu.memory_space<vmem>>, vector<1x1xf32>
    tpu.vector_store %arg5[%swap3A, %swap3A_26], %exp3A {strides = array<i32>} : memref<1x1xf32, #tpu.memory_space<vmem>>, vector<1x1xf32>,
    %get3A_28 = arith.constant 0 : index
    %get3A_29 = arith.constant 0 : index
    %get3A_30 = vector.load %arg1[%get3A_28, %get3A_29] : memref<1x1xf32, #tpu.memory_space<vmem>>, vector<1x1xf32>
    %get3A_31 = arith.constant 0 : index
    %get3A_32 = arith.constant 0 : index
    %get3A_33 = vector.load %arg3[%get3A_31, %get3A_32] : memref<1x1xf32, #tpu.memory_space<vmem>>, vector<1x1xf32>
    %div3A_34 = arith.divf %get3A_30, %get3A_33 : vector<1x1xf32>
    %get3A_35 = arith.constant 0 : index
    %get3A_36 = arith.constant 0 : index
    %get3A_37 = vector.load %arg2[%get3A_35, %get3A_36] : memref<1x1xf32, #tpu.memory_space<vmem>>, vector<1x1xf32>
    %add3A_38 = arith.constant 1.000000e+00 : f32
    %add3A_39 = vector.broadcast %add3A_38 : f32 to vector<1x1xf32>
    %add3A_40 = arith.addf %add3A_39, %get3A_37 : vector<1x1xf32>
    %mul3A_41 = arith.mulf %div3A_34, %add3A_40 : vector<1x1xf32>
    %swap3A_42 = arith.constant 0 : index
    %swap3A_43 = arith.constant 0 : index
    %swap3A_44 = vector.load %arg4[%swap3A_42, %swap3A_43] : memref<1x1xf32, #tpu.memory_space<vmem>>, vector<1x1xf32>
    tpu.vector_store %arg4[%swap3A_42, %swap3A_43], %mul3A_41 {strides = array<i32>} : memref<1x1xf32, #tpu.memory_space<vmem>>, vector<1x1xf32>,
    return
  }
}

module attributes {stable_mosaic.version = 14 : i64} {
  func.func @_k1_body(%arg0: i32, %arg1: memref<1024x256xf32, #tpu.memory_space<vmem>>, %arg2: memref<1024x256xf32, #tpu.memory_space<vmem>>, %arg3: memref<1024x256xf32, #tpu.memory_space<vmem>>, %arg4: memref<1x1024xf32, #tpu.memory_space<vmem>>, %arg5: memref<1024x1024xf32, #tpu.memory_space<vmem>>, %arg6: memref<1024x8xi32, #tpu.memory_space<vmem>>, %arg7: memref<1x1024xf32, #tpu.memory_space<vmem>>) attributes {dimension_semantics = [#tpu.dimension_semantics<arbitrary>], iteration_bounds = array<i64: 16>, scalar_prefetch = 0 : i64, scratch_operands = 0 : i64, tpu.core_type = #tpu.core_type<tc>, window_params = [{transform_indices = @transform_0, window_bounds = array<i64: 1024, 256>}, {pipeline_mode = #tpu.pipeline_mode<synchronous>, transform_indices = @transform_1, window_bounds = array<i64: 1024, 256>}, {pipeline_mode = #tpu.pipeline_mode<synchronous>, transform_indices = @transform_2, window_bounds = array<i64: 1024, 256>}, {pipeline_mode = #tpu.pipeline_mode<synchronous>, transform_indices = @transform_3, window_bounds = array<i64: 1, 1024>}, {transform_indices = @transform_4, window_bounds = array<i64: 1024, 1024>}, {transform_indices = @transform_5, window_bounds = array<i64: 1024, 8>}, {pipeline_mode = #tpu.pipeline_mode<synchronous>, transform_indices = @transform_6, window_bounds = array<i64: 1, 1024>}]} {
    %get3A = arith.constant 0 : index
    %get3A_0 = arith.constant 0 : index
    %get3A_1 = vector.load %arg1[%get3A, %get3A_0] : memref<1024x256xf32, #tpu.memory_space<vmem>>, vector<1024x256xf32>
    %get3A_2 = arith.constant 0 : index
    %get3A_3 = arith.constant 0 : index
    %get3A_4 = vector.load %arg2[%get3A_2, %get3A_3] : memref<1024x256xf32, #tpu.memory_space<vmem>>, vector<1024x256xf32>
    %get3A_5 = arith.constant 0 : index
    %get3A_6 = arith.constant 0 : index
    %get3A_7 = vector.load %arg3[%get3A_5, %get3A_6] : memref<1024x256xf32, #tpu.memory_space<vmem>>, vector<1024x256xf32>
    %dot_general3A = arith.constant dense<0.000000e+00> : vector<1024x1024xf32>
    %dot_general3A_8 = tpu.matmul %get3A_1, %get3A_4, %dot_general3A {dimension_numbers = #tpu.dot_dimension_numbers<[1], [1], [0], [0], [0, 0, 1, 0], [], []>, transpose_lhs_hint = false} : vector<1024x256xf32>, vector<1024x256xf32>, vector<1024x1024xf32> -> vector<1024x1024xf32>
    %get3A_9 = arith.constant 0 : index
    %get3A_10 = arith.constant 0 : index
    %get3A_11 = vector.load %arg4[%get3A_9, %get3A_10] : memref<1x1024xf32, #tpu.memory_space<vmem>>, vector<1x1024xf32>
    %add3A = vector.broadcast %get3A_11 : vector<1x1024xf32> to vector<1024x1024xf32>
    %add3A_12 = arith.addf %dot_general3A_8, %add3A : vector<1024x1024xf32>
    %swap3A = arith.constant 0 : index
    %swap3A_13 = arith.constant 0 : index
    %swap3A_14 = vector.load %arg5[%swap3A, %swap3A_13] : memref<1024x1024xf32, #tpu.memory_space<vmem>>, vector<1024x1024xf32>
    tpu.vector_store %arg5[%swap3A, %swap3A_13], %add3A_12 {strides = array<i32>} : memref<1024x1024xf32, #tpu.memory_space<vmem>>, vector<1024x1024xf32>,
    %exp3A = math.exp %add3A_12 : vector<1024x1024xf32>
    %reduce_sum3A = arith.constant dense<0.000000e+00> : vector<1024xf32>
    %reduce_sum3A_15 = vector.multi_reduction <add>, %exp3A, %reduce_sum3A [0] : vector<1024x1024xf32> to vector<1024xf32>
    %broadcast_in_dim3A = vector.shape_cast %reduce_sum3A_15 : vector<1024xf32> to vector<1x1024xf32>
    %eq3A = arith.constant 0 : i32
    %eq3A_16 = arith.cmpi eq, %arg0, %eq3A : i32
    %convert_element_type3A = arith.extui %eq3A_16 : i1 to i32
    %cond3A = arith.constant 0 : i32
    %cond3A_17 = arith.cmpi ne, %convert_element_type3A, %cond3A : i32
    scf.if %cond3A_17 {
      %swap3A_169 = arith.constant 0 : index
      %swap3A_170 = arith.constant 0 : index
      %swap3A_171 = vector.load %arg7[%swap3A_169, %swap3A_170] : memref<1x1024xf32, #tpu.memory_space<vmem>>, vector<1x1024xf32>
      tpu.vector_store %arg7[%swap3A_169, %swap3A_170], %broadcast_in_dim3A {strides = array<i32>} : memref<1x1024xf32, #tpu.memory_space<vmem>>, vector<1x1024xf32>,
    } else {
    }
    %gt3A = arith.constant 0 : i32
    %gt3A_18 = arith.cmpi sgt, %arg0, %gt3A : i32
    %convert_element_type3A_19 = arith.extui %gt3A_18 : i1 to i32
    %cond3A_20 = arith.constant 0 : i32
    %cond3A_21 = arith.cmpi ne, %convert_element_type3A_19, %cond3A_20 : i32
    scf.if %cond3A_21 {
      %get3A_169 = arith.constant 0 : index
      %get3A_170 = arith.constant 0 : index
      %get3A_171 = vector.load %arg7[%get3A_169, %get3A_170] : memref<1x1024xf32, #tpu.memory_space<vmem>>, vector<1x1024xf32>
      %add3A_172 = arith.addf %get3A_171, %broadcast_in_dim3A : vector<1x1024xf32>
      %swap3A_173 = arith.constant 0 : index
      %swap3A_174 = arith.constant 0 : index
      %swap3A_175 = vector.load %arg7[%swap3A_173, %swap3A_174] : memref<1x1024xf32, #tpu.memory_space<vmem>>, vector<1x1024xf32>
      tpu.vector_store %arg7[%swap3A_173, %swap3A_174], %add3A_172 {strides = array<i32>} : memref<1x1024xf32, #tpu.memory_space<vmem>>, vector<1x1024xf32>,
    } else {
    }
    %integer_pow3A = arith.mulf %get3A_7, %get3A_7 : vector<1024x256xf32>
    %reduce_sum3A_22 = arith.constant dense<0.000000e+00> : vector<1024xf32>
    %reduce_sum3A_23 = vector.multi_reduction <add>, %integer_pow3A, %reduce_sum3A_22 [1] : vector<1024x256xf32> to vector<1024xf32>
    %broadcast_in_dim3A_24 = vector.shape_cast %reduce_sum3A_23 : vector<1024xf32> to vector<1x1024xf32>
    %integer_pow3A_25 = arith.mulf %get3A_1, %get3A_1 : vector<1024x256xf32>
    %reduce_sum3A_26 = arith.constant dense<0.000000e+00> : vector<1024xf32>
    %reduce_sum3A_27 = vector.multi_reduction <add>, %integer_pow3A_25, %reduce_sum3A_26 [1] : vector<1024x256xf32> to vector<1024xf32>
    %broadcast_in_dim3A_28 = vector.shape_cast %reduce_sum3A_27 : vector<1024xf32> to vector<1024x1xf32>
    %dot_general3A_29 = arith.constant dense<0.000000e+00> : vector<1024x1024xf32>
    %dot_general3A_30 = tpu.matmul %get3A_1, %get3A_7, %dot_general3A_29 {dimension_numbers = #tpu.dot_dimension_numbers<[1], [1], [0], [0], [0, 0, 1, 0], [], []>, transpose_lhs_hint = false} : vector<1024x256xf32>, vector<1024x256xf32>, vector<1024x1024xf32> -> vector<1024x1024xf32>
    %add3A_31 = vector.broadcast %broadcast_in_dim3A_28 : vector<1024x1xf32> to vector<1024x1024xf32>
    %add3A_32 = vector.broadcast %broadcast_in_dim3A_24 : vector<1x1024xf32> to vector<1024x1024xf32>
    %add3A_33 = arith.addf %add3A_31, %add3A_32 : vector<1024x1024xf32>
    %mul3A = arith.constant 2.000000e+00 : f32
    %mul3A_34 = vector.broadcast %mul3A : f32 to vector<1024x1024xf32>
    %mul3A_35 = arith.mulf %mul3A_34, %dot_general3A_30 : vector<1024x1024xf32>
    %sub3A = arith.subf %add3A_33, %mul3A_35 : vector<1024x1024xf32>
    %neg3A = arith.constant 0.000000e+00 : f32
    %neg3A_36 = vector.broadcast %neg3A : f32 to vector<1024x1024xf32>
    %neg3A_37 = arith.subf %neg3A_36, %sub3A : vector<1024x1024xf32>
    %iota3A = tpu.iota {dimensions = array<i32: 1>} : vector<1024x1024xi32>
    %convert_element_type3A_38 = arith.sitofp %iota3A : vector<1024x1024xi32> to vector<1024x1024xf32>
    %reduce_max3A = arith.constant dense<0xFF800000> : vector<1024xf32>
    %reduce_max3A_39 = vector.multi_reduction <maximumf>, %neg3A_37, %reduce_max3A [1] : vector<1024x1024xf32> to vector<1024xf32>
    %broadcast_in_dim3A_40 = vector.shape_cast %reduce_max3A_39 : vector<1024xf32> to vector<1024x1xf32>
    %eq3A_41 = vector.broadcast %broadcast_in_dim3A_40 : vector<1024x1xf32> to vector<1024x1024xf32>
    %eq3A_42 = arith.cmpf oeq, %neg3A_37, %eq3A_41 : vector<1024x1024xf32>
    %jit3A = arith.constant 1.07374182E+9 : f32
    %broadcast_in_dim3A_43 = vector.broadcast %jit3A : f32 to vector<1024x1024xf32>
    %select_n3A = arith.select %eq3A_42, %convert_element_type3A_38, %broadcast_in_dim3A_43 : vector<1024x1024xi1>, vector<1024x1024xf32>
    %reduce_min3A = arith.constant dense<0x7F800000> : vector<1024xf32>
    %reduce_min3A_44 = vector.multi_reduction <minimumf>, %select_n3A, %reduce_min3A [1] : vector<1024x1024xf32> to vector<1024xf32>
    %broadcast_in_dim3A_45 = vector.shape_cast %reduce_min3A_44 : vector<1024xf32> to vector<1024x1xf32>
    %convert_element_type3A_46 = arith.fptosi %broadcast_in_dim3A_45 : vector<1024x1xf32> to vector<1024x1xi32>
    %eq3A_47 = vector.broadcast %broadcast_in_dim3A_45 : vector<1024x1xf32> to vector<1024x1024xf32>
    %eq3A_48 = arith.cmpf oeq, %select_n3A, %eq3A_47 : vector<1024x1024xf32>
    %jit3A_49 = arith.constant -1.000000e+30 : f32
    %broadcast_in_dim3A_50 = vector.broadcast %jit3A_49 : f32 to vector<1024x1024xf32>
    %select_n3A_51 = arith.select %eq3A_48, %broadcast_in_dim3A_50, %neg3A_37 : vector<1024x1024xi1>, vector<1024x1024xf32>
    %reduce_max3A_52 = arith.constant dense<0xFF800000> : vector<1024xf32>
    %reduce_max3A_53 = vector.multi_reduction <maximumf>, %select_n3A_51, %reduce_max3A_52 [1] : vector<1024x1024xf32> to vector<1024xf32>
    %broadcast_in_dim3A_54 = vector.shape_cast %reduce_max3A_53 : vector<1024xf32> to vector<1024x1xf32>
    %eq3A_55 = vector.broadcast %broadcast_in_dim3A_54 : vector<1024x1xf32> to vector<1024x1024xf32>
    %eq3A_56 = arith.cmpf oeq, %select_n3A_51, %eq3A_55 : vector<1024x1024xf32>
    %jit3A_57 = arith.constant 1.07374182E+9 : f32
    %broadcast_in_dim3A_58 = vector.broadcast %jit3A_57 : f32 to vector<1024x1024xf32>
    %select_n3A_59 = arith.select %eq3A_56, %convert_element_type3A_38, %broadcast_in_dim3A_58 : vector<1024x1024xi1>, vector<1024x1024xf32>
    %reduce_min3A_60 = arith.constant dense<0x7F800000> : vector<1024xf32>
    %reduce_min3A_61 = vector.multi_reduction <minimumf>, %select_n3A_59, %reduce_min3A_60 [1] : vector<1024x1024xf32> to vector<1024xf32>
    %broadcast_in_dim3A_62 = vector.shape_cast %reduce_min3A_61 : vector<1024xf32> to vector<1024x1xf32>
    %convert_element_type3A_63 = arith.fptosi %broadcast_in_dim3A_62 : vector<1024x1xf32> to vector<1024x1xi32>
    %eq3A_64 = vector.broadcast %broadcast_in_dim3A_62 : vector<1024x1xf32> to vector<1024x1024xf32>
    %eq3A_65 = arith.cmpf oeq, %select_n3A_59, %eq3A_64 : vector<1024x1024xf32>
    %jit3A_66 = arith.constant -1.000000e+30 : f32
    %broadcast_in_dim3A_67 = vector.broadcast %jit3A_66 : f32 to vector<1024x1024xf32>
    %select_n3A_68 = arith.select %eq3A_65, %broadcast_in_dim3A_67, %select_n3A_51 : vector<1024x1024xi1>, vector<1024x1024xf32>
    %reduce_max3A_69 = arith.constant dense<0xFF800000> : vector<1024xf32>
    %reduce_max3A_70 = vector.multi_reduction <maximumf>, %select_n3A_68, %reduce_max3A_69 [1] : vector<1024x1024xf32> to vector<1024xf32>
    %broadcast_in_dim3A_71 = vector.shape_cast %reduce_max3A_70 : vector<1024xf32> to vector<1024x1xf32>
    %eq3A_72 = vector.broadcast %broadcast_in_dim3A_71 : vector<1024x1xf32> to vector<1024x1024xf32>
    %eq3A_73 = arith.cmpf oeq, %select_n3A_68, %eq3A_72 : vector<1024x1024xf32>
    %jit3A_74 = arith.constant 1.07374182E+9 : f32
    %broadcast_in_dim3A_75 = vector.broadcast %jit3A_74 : f32 to vector<1024x1024xf32>
    %select_n3A_76 = arith.select %eq3A_73, %convert_element_type3A_38, %broadcast_in_dim3A_75 : vector<1024x1024xi1>, vector<1024x1024xf32>
    %reduce_min3A_77 = arith.constant dense<0x7F800000> : vector<1024xf32>
    %reduce_min3A_78 = vector.multi_reduction <minimumf>, %select_n3A_76, %reduce_min3A_77 [1] : vector<1024x1024xf32> to vector<1024xf32>
    %broadcast_in_dim3A_79 = vector.shape_cast %reduce_min3A_78 : vector<1024xf32> to vector<1024x1xf32>
    %convert_element_type3A_80 = arith.fptosi %broadcast_in_dim3A_79 : vector<1024x1xf32> to vector<1024x1xi32>
    %eq3A_81 = vector.broadcast %broadcast_in_dim3A_79 : vector<1024x1xf32> to vector<1024x1024xf32>
    %eq3A_82 = arith.cmpf oeq, %select_n3A_76, %eq3A_81 : vector<1024x1024xf32>
    %jit3A_83 = arith.constant -1.000000e+30 : f32
    %broadcast_in_dim3A_84 = vector.broadcast %jit3A_83 : f32 to vector<1024x1024xf32>
    %select_n3A_85 = arith.select %eq3A_82, %broadcast_in_dim3A_84, %select_n3A_68 : vector<1024x1024xi1>, vector<1024x1024xf32>
    %reduce_max3A_86 = arith.constant dense<0xFF800000> : vector<1024xf32>
    %reduce_max3A_87 = vector.multi_reduction <maximumf>, %select_n3A_85, %reduce_max3A_86 [1] : vector<1024x1024xf32> to vector<1024xf32>
    %broadcast_in_dim3A_88 = vector.shape_cast %reduce_max3A_87 : vector<1024xf32> to vector<1024x1xf32>
    %eq3A_89 = vector.broadcast %broadcast_in_dim3A_88 : vector<1024x1xf32> to vector<1024x1024xf32>
    %eq3A_90 = arith.cmpf oeq, %select_n3A_85, %eq3A_89 : vector<1024x1024xf32>
    %jit3A_91 = arith.constant 1.07374182E+9 : f32
    %broadcast_in_dim3A_92 = vector.broadcast %jit3A_91 : f32 to vector<1024x1024xf32>
    %select_n3A_93 = arith.select %eq3A_90, %convert_element_type3A_38, %broadcast_in_dim3A_92 : vector<1024x1024xi1>, vector<1024x1024xf32>
    %reduce_min3A_94 = arith.constant dense<0x7F800000> : vector<1024xf32>
    %reduce_min3A_95 = vector.multi_reduction <minimumf>, %select_n3A_93, %reduce_min3A_94 [1] : vector<1024x1024xf32> to vector<1024xf32>
    %broadcast_in_dim3A_96 = vector.shape_cast %reduce_min3A_95 : vector<1024xf32> to vector<1024x1xf32>
    %convert_element_type3A_97 = arith.fptosi %broadcast_in_dim3A_96 : vector<1024x1xf32> to vector<1024x1xi32>
    %eq3A_98 = vector.broadcast %broadcast_in_dim3A_96 : vector<1024x1xf32> to vector<1024x1024xf32>
    %eq3A_99 = arith.cmpf oeq, %select_n3A_93, %eq3A_98 : vector<1024x1024xf32>
    %jit3A_100 = arith.constant -1.000000e+30 : f32
    %broadcast_in_dim3A_101 = vector.broadcast %jit3A_100 : f32 to vector<1024x1024xf32>
    %select_n3A_102 = arith.select %eq3A_99, %broadcast_in_dim3A_101, %select_n3A_85 : vector<1024x1024xi1>, vector<1024x1024xf32>
    %reduce_max3A_103 = arith.constant dense<0xFF800000> : vector<1024xf32>
    %reduce_max3A_104 = vector.multi_reduction <maximumf>, %select_n3A_102, %reduce_max3A_103 [1] : vector<1024x1024xf32> to vector<1024xf32>
    %broadcast_in_dim3A_105 = vector.shape_cast %reduce_max3A_104 : vector<1024xf32> to vector<1024x1xf32>
    %eq3A_106 = vector.broadcast %broadcast_in_dim3A_105 : vector<1024x1xf32> to vector<1024x1024xf32>
    %eq3A_107 = arith.cmpf oeq, %select_n3A_102, %eq3A_106 : vector<1024x1024xf32>
    %jit3A_108 = arith.constant 1.07374182E+9 : f32
    %broadcast_in_dim3A_109 = vector.broadcast %jit3A_108 : f32 to vector<1024x1024xf32>
    %select_n3A_110 = arith.select %eq3A_107, %convert_element_type3A_38, %broadcast_in_dim3A_109 : vector<1024x1024xi1>, vector<1024x1024xf32>
    %reduce_min3A_111 = arith.constant dense<0x7F800000> : vector<1024xf32>
    %reduce_min3A_112 = vector.multi_reduction <minimumf>, %select_n3A_110, %reduce_min3A_111 [1] : vector<1024x1024xf32> to vector<1024xf32>
    %broadcast_in_dim3A_113 = vector.shape_cast %reduce_min3A_112 : vector<1024xf32> to vector<1024x1xf32>
    %convert_element_type3A_114 = arith.fptosi %broadcast_in_dim3A_113 : vector<1024x1xf32> to vector<1024x1xi32>
    %eq3A_115 = vector.broadcast %broadcast_in_dim3A_113 : vector<1024x1xf32> to vector<1024x1024xf32>
    %eq3A_116 = arith.cmpf oeq, %select_n3A_110, %eq3A_115 : vector<1024x1024xf32>
    %jit3A_117 = arith.constant -1.000000e+30 : f32
    %broadcast_in_dim3A_118 = vector.broadcast %jit3A_117 : f32 to vector<1024x1024xf32>
    %select_n3A_119 = arith.select %eq3A_116, %broadcast_in_dim3A_118, %select_n3A_102 : vector<1024x1024xi1>, vector<1024x1024xf32>
    %reduce_max3A_120 = arith.constant dense<0xFF800000> : vector<1024xf32>
    %reduce_max3A_121 = vector.multi_reduction <maximumf>, %select_n3A_119, %reduce_max3A_120 [1] : vector<1024x1024xf32> to vector<1024xf32>
    %broadcast_in_dim3A_122 = vector.shape_cast %reduce_max3A_121 : vector<1024xf32> to vector<1024x1xf32>
    %eq3A_123 = vector.broadcast %broadcast_in_dim3A_122 : vector<1024x1xf32> to vector<1024x1024xf32>
    %eq3A_124 = arith.cmpf oeq, %select_n3A_119, %eq3A_123 : vector<1024x1024xf32>
    %jit3A_125 = arith.constant 1.07374182E+9 : f32
    %broadcast_in_dim3A_126 = vector.broadcast %jit3A_125 : f32 to vector<1024x1024xf32>
    %select_n3A_127 = arith.select %eq3A_124, %convert_element_type3A_38, %broadcast_in_dim3A_126 : vector<1024x1024xi1>, vector<1024x1024xf32>
    %reduce_min3A_128 = arith.constant dense<0x7F800000> : vector<1024xf32>
    %reduce_min3A_129 = vector.multi_reduction <minimumf>, %select_n3A_127, %reduce_min3A_128 [1] : vector<1024x1024xf32> to vector<1024xf32>
    %broadcast_in_dim3A_130 = vector.shape_cast %reduce_min3A_129 : vector<1024xf32> to vector<1024x1xf32>
    %convert_element_type3A_131 = arith.fptosi %broadcast_in_dim3A_130 : vector<1024x1xf32> to vector<1024x1xi32>
    %eq3A_132 = vector.broadcast %broadcast_in_dim3A_130 : vector<1024x1xf32> to vector<1024x1024xf32>
    %eq3A_133 = arith.cmpf oeq, %select_n3A_127, %eq3A_132 : vector<1024x1024xf32>
    %jit3A_134 = arith.constant -1.000000e+30 : f32
    %broadcast_in_dim3A_135 = vector.broadcast %jit3A_134 : f32 to vector<1024x1024xf32>
    %select_n3A_136 = arith.select %eq3A_133, %broadcast_in_dim3A_135, %select_n3A_119 : vector<1024x1024xi1>, vector<1024x1024xf32>
    %reduce_max3A_137 = arith.constant dense<0xFF800000> : vector<1024xf32>
    %reduce_max3A_138 = vector.multi_reduction <maximumf>, %select_n3A_136, %reduce_max3A_137 [1] : vector<1024x1024xf32> to vector<1024xf32>
    %broadcast_in_dim3A_139 = vector.shape_cast %reduce_max3A_138 : vector<1024xf32> to vector<1024x1xf32>
    %eq3A_140 = vector.broadcast %broadcast_in_dim3A_139 : vector<1024x1xf32> to vector<1024x1024xf32>
    %eq3A_141 = arith.cmpf oeq, %select_n3A_136, %eq3A_140 : vector<1024x1024xf32>
    %jit3A_142 = arith.constant 1.07374182E+9 : f32
    %broadcast_in_dim3A_143 = vector.broadcast %jit3A_142 : f32 to vector<1024x1024xf32>
    %select_n3A_144 = arith.select %eq3A_141, %convert_element_type3A_38, %broadcast_in_dim3A_143 : vector<1024x1024xi1>, vector<1024x1024xf32>
    %reduce_min3A_145 = arith.constant dense<0x7F800000> : vector<1024xf32>
    %reduce_min3A_146 = vector.multi_reduction <minimumf>, %select_n3A_144, %reduce_min3A_145 [1] : vector<1024x1024xf32> to vector<1024xf32>
    %broadcast_in_dim3A_147 = vector.shape_cast %reduce_min3A_146 : vector<1024xf32> to vector<1024x1xf32>
    %convert_element_type3A_148 = arith.fptosi %broadcast_in_dim3A_147 : vector<1024x1xf32> to vector<1024x1xi32>
    %eq3A_149 = vector.broadcast %broadcast_in_dim3A_147 : vector<1024x1xf32> to vector<1024x1024xf32>
    %eq3A_150 = arith.cmpf oeq, %select_n3A_144, %eq3A_149 : vector<1024x1024xf32>
    %jit3A_151 = arith.constant -1.000000e+30 : f32
    %broadcast_in_dim3A_152 = vector.broadcast %jit3A_151 : f32 to vector<1024x1024xf32>
    %select_n3A_153 = arith.select %eq3A_150, %broadcast_in_dim3A_152, %select_n3A_136 : vector<1024x1024xi1>, vector<1024x1024xf32>
    %reduce_max3A_154 = arith.constant dense<0xFF800000> : vector<1024xf32>
    %reduce_max3A_155 = vector.multi_reduction <maximumf>, %select_n3A_153, %reduce_max3A_154 [1] : vector<1024x1024xf32> to vector<1024xf32>
    %broadcast_in_dim3A_156 = vector.shape_cast %reduce_max3A_155 : vector<1024xf32> to vector<1024x1xf32>
    %eq3A_157 = vector.broadcast %broadcast_in_dim3A_156 : vector<1024x1xf32> to vector<1024x1024xf32>
    %eq3A_158 = arith.cmpf oeq, %select_n3A_153, %eq3A_157 : vector<1024x1024xf32>
    %jit3A_159 = arith.constant 1.07374182E+9 : f32
    %broadcast_in_dim3A_160 = vector.broadcast %jit3A_159 : f32 to vector<1024x1024xf32>
    %select_n3A_161 = arith.select %eq3A_158, %convert_element_type3A_38, %broadcast_in_dim3A_160 : vector<1024x1024xi1>, vector<1024x1024xf32>
    %reduce_min3A_162 = arith.constant dense<0x7F800000> : vector<1024xf32>
    %reduce_min3A_163 = vector.multi_reduction <minimumf>, %select_n3A_161, %reduce_min3A_162 [1] : vector<1024x1024xf32> to vector<1024xf32>
    %broadcast_in_dim3A_164 = vector.shape_cast %reduce_min3A_163 : vector<1024xf32> to vector<1024x1xf32>
    %convert_element_type3A_165 = arith.fptosi %broadcast_in_dim3A_164 : vector<1024x1xf32> to vector<1024x1xi32>
    %concatenate3A = tpu.concatenate %convert_element_type3A_46, %convert_element_type3A_63, %convert_element_type3A_80, %convert_element_type3A_97, %convert_element_type3A_114, %convert_element_type3A_131, %convert_element_type3A_148, %convert_element_type3A_165 in 1 : vector<1024x1xi32>, vector<1024x1xi32>, vector<1024x1xi32>, vector<1024x1xi32>, vector<1024x1xi32>, vector<1024x1xi32>, vector<1024x1xi32>, vector<1024x1xi32> -> vector<1024x8xi32>
    %swap3A_166 = arith.constant 0 : index
    %swap3A_167 = arith.constant 0 : index
    %swap3A_168 = vector.load %arg6[%swap3A_166, %swap3A_167] : memref<1024x8xi32, #tpu.memory_space<vmem>>, vector<1024x8xi32>
    tpu.vector_store %arg6[%swap3A_166, %swap3A_167], %concatenate3A {strides = array<i32>} : memref<1024x8xi32, #tpu.memory_space<vmem>>, vector<1024x8xi32>,
    return
  }
  func.func @transform_0(%arg0: i32) -> (i32, i32) {
    %c0_i32 = arith.constant 0 : i32
    %c0_i32_0 = arith.constant 0 : i32
    return %arg0, %c0_i32 : i32, i32
  }
  func.func @transform_1(%arg0: i32) -> (i32, i32) {
    %c0_i32 = arith.constant 0 : i32
    %c0_i32_0 = arith.constant 0 : i32
    %c0_i32_1 = arith.constant 0 : i32
    return %c0_i32, %c0_i32_0 : i32, i32
  }
  func.func @transform_2(%arg0: i32) -> (i32, i32) {
    %c0_i32 = arith.constant 0 : i32
    %c0_i32_0 = arith.constant 0 : i32
    %c0_i32_1 = arith.constant 0 : i32
    return %c0_i32, %c0_i32_0 : i32, i32
  }
  func.func @transform_3(%arg0: i32) -> (i32, i32) {
    %c0_i32 = arith.constant 0 : i32
    %c0_i32_0 = arith.constant 0 : i32
    %c0_i32_1 = arith.constant 0 : i32
    return %c0_i32, %c0_i32_0 : i32, i32
  }
  func.func @transform_4(%arg0: i32) -> (i32, i32) {
    %c0_i32 = arith.constant 0 : i32
    %c0_i32_0 = arith.constant 0 : i32
    return %arg0, %c0_i32 : i32, i32
  }
  func.func @transform_5(%arg0: i32) -> (i32, i32) {
    %c0_i32 = arith.constant 0 : i32
    %c0_i32_0 = arith.constant 0 : i32
    return %arg0, %c0_i32 : i32, i32
  }
  func.func @transform_6(%arg0: i32) -> (i32, i32) {
    %c0_i32 = arith.constant 0 : i32
    %c0_i32_0 = arith.constant 0 : i32
    %c0_i32_1 = arith.constant 0 : i32
    return %c0_i32, %c0_i32_0 : i32, i32
  }
}

</mosaic_0001>

<sc_bundles>
// kernel: kernel.6.cloned.1.call-start
scs
__scs_entry_jumppad:
0x0: {  	(pc) =	sbr.rel $0x88, $3  }
0x1: {  	(tag) =	ssettag $0x0;
	lr =	simm.s32 $0x1  }
0x2: {  	[smem:$0x3F98] =	sst lr;
	_ =	strace $0xD0000000  }
0x3: {  	_ = 	snop  }
0x4: {  	_ = 	snop  }
0x5: {  	_ = 	snop  }
0x6: {  	_ = 	snop  }
0x7: {  	_ = 	snop  }
__scs_overlays_trampoline_lowered:
0x8: {  	[smem:$0x3FA7] =	sst s0  }
0x9: {  	[smem:$0x3FA8] =	sst s1  }
0xa: {  	[smem:$0x3FA9] =	sst s2  }
0xb: {  	[smem:$0x3FAA] =	sst s3  }
0xc: {  	[smem:$0x3FAB] =	sst s4  }
0xd: {  	[smem:$0x3FAC] =	sst s5  }
0xe: {  	[smem:$0x3FAD] =	sst s6  }
0xf: {  	[smem:$0x3FAE] =	sst s7  }
0x10: {  	[smem:$0x3FAF] =	sst s8  }
0x11: {  	[smem:$0x3FB0] =	sst s9;
	s0 =	simm.s32 @!p0 $0x0  }
0x12: {  	s1 =	sld [smem:$0x3F96];
	s0 =	simm.s32 @p0 $0x1  }
0x13: {  	[smem:$0x3FB1] =	sst s0;
	s0 =	simm.s32 @!p1 $0x0  }
0x14: {  	s2 =	sld [smem:$0x3F95];
	s0 =	simm.s32 @p1 $0x1  }
0x15: {  	[smem:$0x3FB2] =	sst s0;
	s0 =	simm.s32 @!p2 $0x0  }
0x16: {  	s3 =	sld [smem:$0x3FDB];
	s0 =	simm.s32 @p2 $0x1  }
0x17: {  	s4 =	simm.s32 $0x1BF5;
	[smem:$0x3FB4] =	sst s0  }
0x18: {  	s0 =	sld [smem:$0x3F97];
	_ =	swait.ge [sflag:s4], $0x0  }
0x19: {  	s7 =	sld [smem:$0x3F98]  }
0x1a: {  	s8 =	sadd.s32 $0xFFFFE003, lr  }
0x1b: {  	s9 =	sadd.s32 $0xFFFFFEF7, lr;
	s5 =	simm.s32 $0xFFFFFFFF;
	p2 =	slt.u32 s8, $0xFFFFF086  }
0x1c: {  	p1 =	slt.u32 s9, $0xF7A;
	s5 =	simm.s32 @!p2 $0x0  }
0x1d: {  	s5 =	simm.s32 @p1 $0x1;
	p0 =	seq.s32 s7, s2  }
0x1e: {  	s7 =	smul.u32 @!p0 $0xF7A, s2;
	p2 =	seq.s32 @!p0 s5, $0x0  }
0x1f: {  	s9 =	smul.u32 $0xF7A, s1;
	s8 =	simm.s32 @!p0 $0x1BF5;
	p2 =	por !p2, p0  }
0x20: {  	[sflag:s8] =	ssyncset.s32 @!p0 $0xFFFFF086;
	s6 =	sadd.s32 @!p0 s3, s7;
	s7 =	simm.s32 @!p0 $0x108  }
0x21: {  	s3 =	sadd.s32 s3, s9;
	s6 =	sadd.s32 @!p0 $0x88, s6;
	s7 =	simm.s32 @p2 $0x1082  }
0x22: {  	[simem:s7], [sflag:s8] =	dma.local @!p0 [hbm:s6], $0xF7A  }
0x23: {  	s9 =	sor.u32 $0xD0000000, s2;
	s6 =	simm.s32 $0x108;
	_ =	swait.ge @!p0 [sflag:s8], $0x0  }
0x24: {  	s3 =	sadd.s32 $0x88, s3;
	s6 =	simm.s32 @!p1 $0x1082;
	[sflag:s4] =	ssyncset.s32 $0xFFFFF086  }
0x25: {  	[simem:s6], [sflag:s4] =	dma.local [hbm:s3], $0xF7A  }
0x26: {  	[smem:$0x3F98] =	sst s1;
	(tag) =	ssettag s2;
	_ =	strace s9  }
0x27: {  	s1 =	sld [smem:$0x3FA8]  }
0x28: {  	s2 =	sld [smem:$0x3FA9]  }
0x29: {  	s4 =	sld [smem:$0x3FAB]  }
0x2a: {  	p0 =	seq.s32 s5, $0x0;
	s5 =	sld [smem:$0x3FAC]  }
0x2b: {  	s6 =	sld [smem:$0x3FAD]  }
0x2c: {  	s7 =	sld [smem:$0x3FAE]  }
0x2d: {  	s3 =	simm.s32 $0x108;
	s8 =	sld [smem:$0x3FAF]  }
0x2e: {  	s3 =	simm.s32 @!p0 $0x1082;
	s9 =	sld [smem:$0x3FB0]  }
0x2f: {  	lr =	sadd.s32 s0, s3;
	s0 =	sld [smem:$0x3FA7]  }
0x30: {  	s3 =	sld [smem:$0x3FAA]  }
0x31: {  	[smem:$0x3FB3] =	sst s10  }
0x32: {  	s10 =	sld [smem:$0x3FB1];
	_ =	sdelay $0x3  }
0x33: {  	p0 =	seq.s32 s10, $0x1;
	s10 =	sld [smem:$0x3FB3];
	_ =	sdelay $0x3  }
0x34: {  	[smem:$0x3FB3] =	sst s10  }
0x35: {  	s10 =	sld [smem:$0x3FB2];
	_ =	sdelay $0x3  }
0x36: {  	p1 =	seq.s32 s10, $0x1;
	s10 =	sld [smem:$0x3FB3];
	_ =	sdelay $0x3  }
0x37: {  	[smem:$0x3FB3] =	sst s10  }
0x38: {  	s10 =	sld [smem:$0x3FB4]  }
0x39: {  	_ = 	snop;
	(pc) =	sbr.ind lr, $3  }
0x3a: {  	_ = 	snop  }
0x3b: {  	_ = 	snop  }
0x3c: {  	p2 =	seq.s32 s10, $0x1;
	s10 =	sld [smem:$0x3FB3]  }
0x3d: {  	_ =	shalt  }
0x3e: {  	_ =	shalt  }
0x3f: {  	_ =	shalt  }
0x40: {  	_ =	shalt  }
0x41: {  	_ =	shalt  }
0x42: {  	_ =	shalt  }
0x43: {  	_ =	shalt  }
0x44: {  	_ =	shalt  }
0x45: {  	_ =	shalt  }
0x46: {  	_ =	shalt  }
0x47: {  	_ =	shalt  }
0x48: {  	_ =	shalt  }
0x49: {  	_ =	shalt  }
0x4a: {  	_ =	shalt  }
0x4b: {  	_ =	shalt  }
0x4c: {  	_ =	shalt  }
0x4d: {  	_ =	shalt  }
0x4e: {  	_ =	shalt  }
0x4f: {  	_ =	shalt  }
0x50: {  	_ =	shalt  }
0x51: {  	_ =	shalt  }
0x52: {  	_ =	shalt  }
0x53: {  	_ =	shalt  }
0x54: {  	_ =	shalt  }
0x55: {  	_ =	shalt  }
0x56: {  	_ =	shalt  }
0x57: {  	_ =	shalt  }
0x58: {  	_ =	shalt  }
0x59: {  	_ =	shalt  }
0x5a: {  	_ =	shalt  }
0x5b: {  	_ =	shalt  }
0x5c: {  	_ =	shalt  }
0x5d: {  	_ =	shalt  }
0x5e: {  	_ =	shalt  }
0x5f: {  	_ =	shalt  }
0x60: {  	_ =	shalt  }
0x61: {  	_ =	shalt  }
0x62: {  	_ =	shalt  }
0x63: {  	_ =	shalt  }
0x64: {  	_ =	shalt  }
0x65: {  	_ =	shalt  }
0x66: {  	_ =	shalt  }
0x67: {  	_ =	shalt  }
0x68: {  	_ =	shalt  }
0x69: {  	_ =	shalt  }
0x6a: {  	_ =	shalt  }
0x6b: {  	_ =	shalt  }
0x6c: {  	_ =	shalt  }
0x6d: {  	_ =	shalt  }
0x6e: {  	_ =	shalt  }
0x6f: {  	_ =	shalt  }
0x70: {  	_ =	shalt  }
0x71: {  	_ =	shalt  }
0x72: {  	_ =	shalt  }
0x73: {  	_ =	shalt  }
0x74: {  	_ =	shalt  }
0x75: {  	_ =	shalt  }
0x76: {  	_ =	shalt  }
0x77: {  	_ =	shalt  }
0x78: {  	_ =	shalt  }
0x79: {  	_ =	shalt  }
0x7a: {  	_ =	shalt  }
0x7b: {  	_ =	shalt  }
0x7c: {  	_ =	shalt  }
0x7d: {  	_ =	shalt  }
0x7e: {  	_ =	shalt  }
0x7f: {  	_ =	shalt  }
0x80: {  	_ =	shalt  }
0x81: {  	_ =	shalt  }
0x82: {  	_ =	shalt  }
0x83: {  	_ =	shalt  }
0x84: {  	_ =	shalt  }
0x85: {  	_ =	shalt  }
0x86: {  	_ =	shalt  }
0x87: {  	_ =	shalt  }
.Lfunc_end0:
.L_simem_size_0:
called_computation_lowered:
.L_overlay_start_0:
0x88: {  	s2 =	sld [smem:$0x3FD9]  }
0x89: {  	s3 =	sld [smem:$0x3FFE];
	_ =	sdelay $0x1  }
0x8a: {  	s1 =	srdreg.scid  }
0x8b: {  	s0 =	sand.u32 $0x1, s1  }
0x8c: {  	s16 =	sshll.u32 s0, $0xA;
	s2 =	sadd.s32 s3, s2  }
0x8d: {  	s2 =	sadd.s32 s2, s16  }
0x8e: {  	[smem:$0x3FBF] =	sst s2  }
0x8f: {  	_ = 	snop  }
0x90: {  	(tm) =	ssettm $0x1  }
0x91: {  	s17 =	sld [smem:$0x3FFB];
	_ =	sdelay $0x3  }
0x92: {  	_ =	strace s17  }
0x93: {  	s2 =	sld [smem:$0x3FFC];
	_ =	sdelay $0x3  }
0x94: {  	_ =	strace s2  }
0x95: {  	s2 =	sld [smem:$0x3FFD];
	_ =	sdelay $0x3  }
0x96: {  	_ =	strace s2  }
0x97: {  	_ =	strace $0x8FFFFFFF  }
0x98: {  	s18 =	sld [smem:$0x3FDB];
	_ =	sdelay $0x1  }
0x99: {  	s19 =	simm.s32 $_scs_section_size  }
0x9a: {  	s4 =	simm.s32 $_size__tile_overlayer_lowered;
	s5 =	simm.s32 $_tile_overlayer_lowered  }
0x9b: {  	s22 =	simm.s32 $0x1BFF;
	s21 =	sshll.u32 s5, $0x1;
	s2 =	sadd.s32 s19, s18  }
0x9c: {  	s6 =	simm.s32 $0x0;
	s20 =	sshll.u32 s4, $0x1;
	s4 =	sadd.s32 s21, s2  }
0x9d: {  	[timem:s6], [sflag:s22] =	dma.local [hbm:s4], s20  }
0x9e: {  	_ =	swait.ge [sflag:s22], s20  }
0x9f: {  	s3 =	ssub.s32 $0x0, s20;
	[sflag:s22] =	ssyncset.done $0x0  }
0xa0: {  	[sflag:s22] =	ssyncadd.s32 s3;
	_ =	sdelay $0x1  }
0xa1: {  	s23 =	simm.s32 $0x1B8B  }
0xa2: {  	_ =	swait.ge [sflag:s23], $0x1  }
0xa3: {  	[sflag:s23] =	ssyncset.done $0x0  }
0xa4: {  	s25 =	simm.s32 $0x1B8E;
	s24 =	sld [smem:$0x3FFE];
	[sflag:s23] =	ssyncadd.s32 $0xFFFFFFFF  }
0xa5: {  	s26 =	simm.s32 $execute0_lowered;
	[smem:$0x3FD2] =	sst s25  }
0xa6: {  	s4 =	sshll.u32 s26, $0x1;
	_ =	strace $0x80000046;
	[dreg:$0x1] =	wrdreg $0xFFFFFFFF  }
0xa7: {  	s28 =	simm.s32 $_size_execute0_lowered;
	s2 =	sadd.s32 s2, s4;
	[dreg:$0x0] =	wrdreg $0x0  }
0xa8: {  	s4 =	sshll.u32 s28, $0x1;
	[dreg:$0x2] =	wrdreg s2  }
0xa9: {  	[dreg:$0x3] =	wrdreg s4  }
0xaa: {  	[dreg:$0x4] =	wrdreg $0xC0  }
0xab: {  	_ =	task [dreg:s6], $0x5FFFF  }
0xac: {  	[dreg:$0x1] =	wrdreg $0xFFFFFFFF  }
0xad: {  	[dreg:$0x0] =	wrdreg $0x60  }
0xae: {  	[dreg:$0x2] =	wrdreg s24  }
0xaf: {  	[dreg:$0x3] =	wrdreg $0x9  }
0xb0: {  	_ =	task.clear_ibuf [dreg:s6], $0x4FFFF;
	_ =	strace $0x90000046  }
0xb1: {  	s29 =	simm.s32 $0x9;
	_ =	strace $0x80000048  }
0xb2: {  	_ =	swait.ge [sflag:s29], $0x1  }
0xb3: {  	[sflag:s29] =	ssyncadd.s32 $0xFFFFFFFF  }
0xb4: {  	_ =	strace $0x90000048  }
0xb5: {  	_ =	sfence  }
0xb6: {  	s30 =	sld [smem:$0x0];
	_ =	sdelay $0x2  }
0xb7: {  	s31 =	sshll.u32 s1, $0xD;
	s1 =	sshrl.u32 s1, $0x2  }
0xb8: {  	s3 =	sand.u32 $0x4000, s31;
	s1 =	sadd.s32 s1, s30  }
0xb9: {  	s0 =	sor.u32 s3, s0;
	s1 =	sshll.u32 s1, $0x11  }
0xba: {  	s0 =	sor.u32 s1, s0  }
0xbb: {  	s0 =	sadd.s32 $0x8F2B, s0  }
0xbc: {  	[sflag:s0] =	ssyncadd.remote.s32 $0x1  }
0xbd: {  	_ =	sfence.sel $0xFFFF  }
0xbe: {  	[dreg:$0x0] =	wrdreg $0xFFFFFFFF;
	(pc) =	sbr.abs _section_cstart, $3  }
0xbf: {  	[dreg:$0x1] =	wrdreg $0xFFFFFFFF  }
0xc0: {  	_ =	task.clear_ibuf [dreg:s6], $0x2FFFF;
	_ =	strace $0x9FFFFFFF  }
0xc1: {  	(tm) =	ssettm $0x7FFFFFFF  }
tec
execute0_lowered:
.L_overlay_start_1:
0x0: {  	(tag) =	ssettag $0x1  }
0x1: {  	s3 =	rddreg [dreg:$0x0]  }
0x2: {  	s0 =	rddreg [dreg:$0x1]  }
0x3: {  	s2 =	simm.s32 $0x0;
	s4 =	srdreg.scid;
	s1 =	stileid.u32  }
0x4: {  	s8 =	simm.s32 $0x80;
	s9 =	simm.s32 $0x400;
	s10 =	simm.s32 $0x0  }
0x5: {  	[smem:$0x7FF] =	sst s2;
	s4 =	sand.u32 $0x1, s4;
	s5 =	sshll.u32 s1, $0x1  }
0x6: {  	s6 =	sshll.u32 s1, $0x8;
	_ =	strace $0x80000047;
	s5 =	sor.u32 s4, s5  }
0x7: {  	s6 =	sand.u32 $0xC00, s6;
	s4 =	ssub.s32 $0x2, s4;
	s7 =	sshll.u32 s5, $0x9  }
0x8: {  	s5 =	sshll.u32 s5, $0x4;
	s6 =	sadd.s32 s6, s3;
	s30 =	sshrl.u32 s4, $0x1  }
0x9: {  	s5 =	sand.u32 $0x70, s5;
	s3 =	sadd.s32 s7, s3;
	s31 =	ssub.s32 s4, s30  }
0xa: {  	s7 =	simm.s32 $0x1000;
	s5 =	sadd.s32 s5, s6;
	s3 =	sadd.s32 $0x201A00, s3  }
0xb: {  	v0 =	vimm.f32 $0.0e+00;
	v1 =	vimm.f32 $1.000000000e+00;
	vm0 =	vcmask $0x3F20;
	s6 =	simm.s32 $0x1;
	s4 =	sadd.s32 $0x205A00, s5;
	s5 =	smax.u32 s31, $0x1  }
.LBB2_1:
0xc: {  	[tilespmem:s2], [sflag:$0x1] =	stream.linear.gather [hbm4b:s3+s2], $0x1000, $0x38;
	[tilespmem:$0x1400] =	vst v63  }
0xd: {  	_ =	swait.ge [sflag:s6], $0x1000  }
0xe: {  	[sflag:s6] =	ssyncset.done $0x0  }
0xf: {  	s11 =	simm.s32 $0x0;
	[sflag:s6] =	ssyncadd.s32 $0xFFFFF000  }
.LBB2_2:
0x10: {  	p0 =	sne.s32 s11, $0xFC0  }
.Ltmp0:
0x11: {  	_ = 	snop;
	(pc) =	sbr.rel @p0 .LBB2_2-.Ltmp0, $3  }
0x12: {  	_ =	sdelay $0x1  }
0x13: {  	s12 =	sshra.s32 s11, $0x2  }
0x14: {  	s11 =	sadd.s32 $0x40, s11;
	[tilespmem:s12+$0x1000] =	vst v0  }
0x15: {  	s11 =	simm.s32 $0x0  }
0x16: {  	v2 =	vld [tilespmem:s11+$0x0];
	s11 =	simm.s32 $0x40  }
.LBB2_4:
0x17: {  	p0 =	sne.s32 s11, $0x3FC0;
	_ =	sdelay $0x4  }
.Ltmp1:
0x18: {  	(pc) =	sbr.rel @p0 .LBB2_4-.Ltmp1, $4  }
0x19: {  	_ = 	snop  }
0x1a: {  	[tilespmem:v2+s7+$0x0] =	vst.idx.add.f32.msk $0xff, v1  }
0x1b: {  	s12 =	sshra.s32 s11, $0x2;
	[tilespmem:v2+s7+$0x0] =	vst.idx.add.f32.msk vm0, v1  }
0x1c: {  	s11 =	sadd.s32 $0x40, s11;
	v2 =	vld [tilespmem:s12+$0x0]  }
0x1d: {  	_ =	sdelay $0x6  }
0x1e: {  	s10 =	sadd.s32 $0x1, s10  }
0x1f: {  	p0 =	sne.s32 s10, s5;
	[tilespmem:v2+s7+$0x0] =	vst.idx.add.f32.msk $0xff, v1  }
.Ltmp2:
0x20: {  	[tilespmem:v2+s7+$0x0] =	vst.idx.add.f32.msk vm0, v1;
	(pc) =	sbr.rel @p0 .LBB2_1-.Ltmp2, $4  }
0x21: {  	[hbm4b:s4+s8] =	stream.strided.scatter [tilespmem:s7], [sflag:$0x1], $0x400, s9, s8, $0x38;
	[tilespmem:$0x1400] =	vst v63  }
0x22: {  	_ =	swait.ge [sflag:s6], $0x400  }
0x23: {  	[sflag:s6] =	ssyncset.done $0x0  }
0x24: {  	[sflag:s6] =	ssyncadd.s32 $0xFFFFFC00  }
0x25: {  	_ =	sfence.sel $0x180000  }
0x26: {  	[bflag:$0x0] =	sbarrier.arrive $0xFFFF  }
0x27: {  	p0 =	sne.s32 s1, $0x0;
	_ =	strace $0x90000047  }
0x28: {  	s0 =	sadd.s32 @!p0 $0x100000, s0;
	[bflag:$0x2] =	sbarrier.arrive $0xFFFF  }
0x29: {  	[sflag:s0] =	ssyncadd.tile.s32 @!p0 $0x1;
	_ =	shalt  }
.Lfunc_end2:
_tile_overlayer_lowered:
.L_overlay_start_2:
0x2a: {  	(tag) =	ssettag $0x2  }
0x2b: {  	s0 =	rddreg [dreg:$0x0];
	s2 =	stileid.u32  }
0x2c: {  	s1 =	rddreg [dreg:$0x1];
	p0 =	sne.s32 s2, $0x0  }
0x2d: {  	s3 =	rddreg [dreg:$0x2];
	[bflag:$0x3] =	sbarrier.arrive $0xFFFF;
	s2 =	simm.s32 @!p0 $0x1C01  }
0x2e: {  	[timem:s3], [sflag:s2] =	dma.local @!p0 [hbm:s0], s1  }
0x2f: {  	s0 =	simm.s32 @!p0 $0x1  }
0x30: {  	_ =	swait.ge @!p0 [sflag:s0], s1  }
0x31: {  	s1 =	ssub.s32 @!p0 $0x0, s1;
	[sflag:s0] =	ssyncset.done @!p0 $0x0  }
0x32: {  	[sflag:s0] =	ssyncadd.s32 @!p0 s1  }
0x33: {  	[bflag:$0x3] =	sbarrier.arrive $0xFFFF  }
0x34: {  	_ =	shalt  }

</sc_bundles>
